<compile_context>
chip_gen: v7x
topology: tpu7x:2x2x1
jax: 0.10.2.dev20260603
libtpu: 0.0.44.dev20260713+nightly
codegen_flags: <defaults>
</compile_context>

<pallas_src>
import functools

import jax
import jax.numpy as jnp
from jax import lax
from jax.experimental import pallas as pl
from jax.experimental.pallas import tpu as pltpu
from jax.experimental.pallas import tpu_sc as plsc

_N = 10000
_E = 320000
_D = 128
_OUT = 64

_NP = 10240
_ROWS_PER_SUB = _NP // 16
_CH = 128
_NTILES = 32
_NCH = 79
_EPAD = _NTILES * _NCH * _CH


def _sc_aggregate(x, src3, dst3, zrow, zdeg, ones):
    mesh = plsc.VectorSubcoreMesh(core_axis_name="c", subcore_axis_name="s")

    @functools.partial(
        pl.kernel,
        mesh=mesh,
        out_type=[
            jax.ShapeDtypeStruct((2, _NP, _D), jnp.float32),
            jax.ShapeDtypeStruct((2, _NP), jnp.float32),
        ],
        scratch_types=[
            pltpu.VMEM((_NCH, _CH), jnp.int32),
            pltpu.VMEM((_NCH, _CH), jnp.int32),
            pltpu.VMEM((_CH, _D), jnp.float32),
            pltpu.VMEM((_CH,), jnp.float32),
            pltpu.VMEM_SHARED((_NP, _D), jnp.float32),
            pltpu.VMEM_SHARED((_NP,), jnp.float32),
            pltpu.SemaphoreType.DMA,
        ],
    )
    def k(x_hbm, src_hbm, dst_hbm, zrow_hbm, zdeg_hbm, ones_hbm,
          agg_out, deg_out, sidx, didx, rows, onesv, aggsh, degsh, sem):
        c = lax.axis_index("c")
        s = lax.axis_index("s")
        w = c * 16 + s
        r0 = s * _ROWS_PER_SUB
        pltpu.sync_copy(zrow_hbm, aggsh.at[pl.ds(r0, _ROWS_PER_SUB)])
        pltpu.sync_copy(zdeg_hbm, degsh.at[pl.ds(r0, _ROWS_PER_SUB)])
        pltpu.sync_copy(src_hbm.at[w], sidx)
        pltpu.sync_copy(dst_hbm.at[w], didx)
        pltpu.sync_copy(ones_hbm, onesv)
        plsc.subcore_barrier()

        def body(j, carry):
            pltpu.async_copy(x_hbm.at[sidx.at[j]], rows, sem).wait()
            pltpu.sync_copy(rows, aggsh.at[didx.at[j]], add=True)
            pltpu.sync_copy(onesv, degsh.at[didx.at[j]], add=True)
            return carry

        lax.fori_loop(0, _NCH, body, 0)
        plsc.subcore_barrier()
        pltpu.sync_copy(aggsh.at[pl.ds(r0, _ROWS_PER_SUB)],
                        agg_out.at[c, pl.ds(r0, _ROWS_PER_SUB)])
        pltpu.sync_copy(degsh.at[pl.ds(r0, _ROWS_PER_SUB)],
                        deg_out.at[c, pl.ds(r0, _ROWS_PER_SUB)])

    return k(x, src3, dst3, zrow, zdeg, ones)


def _tc_body(x_ref, aggp_ref, degp_ref, eps_ref,
             w1_ref, b1_ref, g1_ref, be1_ref,
             w2_ref, b2_ref, g2_ref, be2_ref,
             wp0_ref, bp0_ref, wc_ref, bc_ref, out_ref):
    xv = x_ref[...]
    agg = aggp_ref[0, :_N, :] + aggp_ref[1, :_N, :]
    deg = degp_ref[0, :_N, :] + degp_ref[1, :_N, :]
    agg = agg / jnp.maximum(deg, 1.0)
    rst = (1.0 + eps_ref[0, 0]) * xv + agg
    t = jnp.dot(rst, w1_ref[...], preferred_element_type=jnp.float32) + b1_ref[...]
    mu = jnp.mean(t, axis=0, keepdims=True)
    var = jnp.mean((t - mu) ** 2, axis=0, keepdims=True)
    h = jnp.maximum((t - mu) / jnp.sqrt(var + 1e-5) * g1_ref[...] + be1_ref[...], 0.0)
    t2 = jnp.dot(h, w2_ref[...], preferred_element_type=jnp.float32) + b2_ref[...]
    mu2 = jnp.mean(t2, axis=0, keepdims=True)
    var2 = jnp.mean((t2 - mu2) ** 2, axis=0, keepdims=True)
    h2 = jnp.maximum((t2 - mu2) / jnp.sqrt(var2 + 1e-5) * g2_ref[...] + be2_ref[...], 0.0)
    s2 = jnp.sum(h2, axis=0, keepdims=True)
    sx = jnp.sum(xv, axis=0, keepdims=True)
    out0 = jnp.dot(sx, wp0_ref[...], preferred_element_type=jnp.float32) + bp0_ref[...]
    out1 = jnp.dot(s2, wc_ref[...], preferred_element_type=jnp.float32) + bc_ref[...]
    out_ref[...] = out0 + out1


def kernel(x, edge_index, eps0, W1, b1, g1, be1, W2, b2, g2, be2, Wp0, bp0, Wc, bc):
    pad = _EPAD - _E
    dummy_src = jnp.arange(pad, dtype=jnp.int32) % _N
    src3 = jnp.concatenate([edge_index[0], dummy_src]).reshape(_NTILES, _NCH, _CH)
    dummy_dst = _N + (jnp.arange(pad, dtype=jnp.int32) % (_NP - _N))
    dst3 = jnp.concatenate([edge_index[1], dummy_dst]).reshape(_NTILES, _NCH, _CH)
    zrow = jnp.zeros((_ROWS_PER_SUB, _D), jnp.float32)
    zdeg = jnp.zeros((_ROWS_PER_SUB,), jnp.float32)
    ones = jnp.ones((_CH,), jnp.float32)
    aggp, degp = _sc_aggregate(x, src3, dst3, zrow, zdeg, ones)

    out = pl.pallas_call(
        _tc_body,
        out_shape=jax.ShapeDtypeStruct((1, _OUT), jnp.float32),
    )(x, aggp, degp.reshape(2, _NP, 1), eps0.reshape(1, 1),
      W1, b1.reshape(1, _D), g1.reshape(1, _D), be1.reshape(1, _D),
      W2, b2.reshape(1, _D), g2.reshape(1, _D), be2.reshape(1, _D),
      Wp0, bp0.reshape(1, _OUT), Wc, bc.reshape(1, _OUT))
    return out

# --- scband reference (transcript-rebuilt; emitter-appended) ---
"""Pipeline reference for scband-gin-23957327577903 (READ-ONLY COPY).

The authoritative reference and input builder live on the scoring server;
editing this copy changes nothing except your own understanding.
"""

import jax, jax.numpy as jnp
import numpy as np

N = 10000
E = 320000
D = 128
OUT = 64

def _bn(h, gamma, beta, eps=1e-5):
    mu = jnp.mean(h, axis=0, keepdims=True)
    var = jnp.var(h, axis=0, keepdims=True)
    return (h - mu) / jnp.sqrt(var + eps) * gamma + beta

def setup_inputs(seed: int = 0) -> dict:
    key = jax.random.key(seed)
    ks = jax.random.split(key, 12)
    s = 0.05
    x = jax.random.normal(ks[0], (N, D), dtype=jnp.float32)
    edge_index = jax.random.randint(ks[1], (2, E), 0, N, dtype=jnp.int32)
    eps0 = jnp.zeros((), dtype=jnp.float32)
    W1 = jax.random.normal(ks[2], (D, D), dtype=jnp.float32) * s
    b1 = jnp.zeros((D,), dtype=jnp.float32)
    g1 = jnp.ones((D,), dtype=jnp.float32)
    be1 = jnp.zeros((D,), dtype=jnp.float32)
    W2 = jax.random.normal(ks[3], (D, D), dtype=jnp.float32) * s
    b2 = jnp.zeros((D,), dtype=jnp.float32)
    g2 = jnp.ones((D,), dtype=jnp.float32)
    be2 = jnp.zeros((D,), dtype=jnp.float32)
    Wp0 = jax.random.normal(ks[4], (D, OUT), dtype=jnp.float32) * s
    bp0 = jnp.zeros((OUT,), dtype=jnp.float32)
    Wc = jax.random.normal(ks[5], (D, OUT), dtype=jnp.float32) * s
    bc = jnp.zeros((OUT,), dtype=jnp.float32)
    return {"x": x, "edge_index": edge_index, "eps0": eps0, "W1": W1, "b1": b1, "g1": g1, "be1": be1, "W2": W2, "b2": b2, "g2": g2, "be2": be2, "Wp0": Wp0, "bp0": bp0, "Wc": Wc, "bc": bc}

def reference(x, edge_index, eps0, W1, b1, g1, be1, W2, b2, g2, be2, Wp0, bp0, Wc, bc):
    src = edge_index[0]
    dst = edge_index[1]
    # layer 0 readout: sum-pool over all nodes (single graph), then linear prediction
    p0 = jnp.sum(x, axis=0, keepdims=True)
    out0 = p0 @ Wp0 + bp0
    # GINConv with mean neighbor aggregation: agg = mean_{u in N(v)} x[u]
    msg = jnp.take(x, src, axis=0)
    agg = jax.ops.segment_sum(msg, dst, num_segments=N)
    deg = jax.ops.segment_sum(jnp.ones((E,), dtype=x.dtype), dst, num_segments=N)
    agg = agg / jnp.clip(deg, 1.0)[:, None]
    rst = (1.0 + eps0) * x + agg
    # ApplyNodeFunc: MLP (linear -> BN -> relu -> linear), then BN -> relu
    h = rst @ W1 + b1
    h = jax.nn.relu(_bn(h, g1, be1))
    h = h @ W2 + b2
    h = jax.nn.relu(_bn(h, g2, be2))
    # final readout: sum-pool then classify
    p1 = jnp.sum(h, axis=0, keepdims=True)
    out1 = p1 @ Wc + bc
    return out0 + out1

if __name__ == "__main__":
    import jax
    _d = setup_inputs()
    print(jax.jit(kernel)(*tuple(_d.values())))

</pallas_src>

<mosaic_0001>
#map = affine_map<(d0, d1) -> (0, 0)>
#map1 = affine_map<(d0, d1) -> (0, 0, 0)>
#map2 = affine_map<(d0, d1) -> (0)>
module attributes {stable_mosaic.version = 14 : i64} {
  func.func @k(%arg0: i32, %arg1: i32, %arg2: memref<10000x128xf32, #tpu.memory_space<hbm>>, %arg3: memref<32x79x128xi32, #tpu.memory_space<hbm>>, %arg4: memref<32x79x128xi32, #tpu.memory_space<hbm>>, %arg5: memref<640x128xf32, #tpu.memory_space<hbm>>, %arg6: memref<640xf32, #tpu.memory_space<hbm>>, %arg7: memref<128xf32, #tpu.memory_space<hbm>>, %arg8: memref<2x10240x128xf32, #tpu.memory_space<hbm>>, %arg9: memref<2x10240xf32, #tpu.memory_space<hbm>>, %arg10: memref<79x128xi32, #tpu.memory_space<vmem>>, %arg11: memref<79x128xi32, #tpu.memory_space<vmem>>, %arg12: memref<128x128xf32, #tpu.memory_space<vmem>>, %arg13: memref<128xf32, #tpu.memory_space<vmem>>, %arg14: memref<10240x128xf32, #tpu.memory_space<vmem_shared>>, %arg15: memref<10240xf32, #tpu.memory_space<vmem_shared>>, %arg16: memref<!tpu.dma_semaphore, #tpu.memory_space<semaphore_mem>>) attributes {dimension_semantics = [#tpu.dimension_semantics<core_parallel>, #tpu.dimension_semantics<subcore_parallel>], iteration_bounds = array<i64: 2, 16>, scalar_prefetch = 0 : i64, scratch_operands = 7 : i64, tpu.core_type = #tpu.core_type<sc_vector_subcore>, window_params = [{transform_indices = #map}, {transform_indices = #map1}, {transform_indices = #map1}, {transform_indices = #map}, {transform_indices = #map2}, {transform_indices = #map2}, {transform_indices = #map1}, {transform_indices = #map}]} {
    %mul3A = arith.constant 16 : i32
    %mul3A_0 = arith.muli %arg0, %mul3A : i32
    %add3A = arith.addi %mul3A_0, %arg1 : i32
    %mul3A_1 = arith.constant 640 : i32
    %mul3A_2 = arith.muli %arg1, %mul3A_1 : i32
    "tpu.region"() ({
      %run_scoped3A = tpu.sem_alloc : memref<!tpu.dma_semaphore, #tpu.memory_space<semaphore_mem>>
      %dma_start3A = arith.constant 0 : i32
      %dma_start3A_9 = tpu.memref_slice %arg14[%mul3A_2, %dma_start3A] : memref<10240x128xf32, #tpu.memory_space<vmem_shared>> -> memref<640x128xf32, #tpu.memory_space<vmem_shared>>
      tpu.enqueue_dma source(%arg5 : memref<640x128xf32, #tpu.memory_space<hbm>>) target(%dma_start3A_9 : memref<640x128xf32, #tpu.memory_space<vmem_shared>>) target_semaphore(%run_scoped3A : memref<!tpu.dma_semaphore, #tpu.memory_space<semaphore_mem>>)
      %dma_wait3A = arith.constant 0 : i32
      %dma_wait3A_10 = tpu.memref_slice %arg14[%mul3A_2, %dma_wait3A] : memref<10240x128xf32, #tpu.memory_space<vmem_shared>> -> memref<640x128xf32, #tpu.memory_space<vmem_shared>>
      tpu.wait_dma2 semaphore(%run_scoped3A : memref<!tpu.dma_semaphore, #tpu.memory_space<semaphore_mem>>) src(%arg5 : memref<640x128xf32, #tpu.memory_space<hbm>>) dst(%dma_wait3A_10 : memref<640x128xf32, #tpu.memory_space<vmem_shared>>)
      tpu.yield
    }) : () -> ()
    "tpu.region"() ({
      %run_scoped3A = tpu.sem_alloc : memref<!tpu.dma_semaphore, #tpu.memory_space<semaphore_mem>>
      %dma_start3A = tpu.memref_slice %arg15[%mul3A_2] : memref<10240xf32, #tpu.memory_space<vmem_shared>> -> memref<640xf32, #tpu.memory_space<vmem_shared>>
      tpu.enqueue_dma source(%arg6 : memref<640xf32, #tpu.memory_space<hbm>>) target(%dma_start3A : memref<640xf32, #tpu.memory_space<vmem_shared>>) target_semaphore(%run_scoped3A : memref<!tpu.dma_semaphore, #tpu.memory_space<semaphore_mem>>)
      %dma_wait3A = tpu.memref_slice %arg15[%mul3A_2] : memref<10240xf32, #tpu.memory_space<vmem_shared>> -> memref<640xf32, #tpu.memory_space<vmem_shared>>
      tpu.wait_dma2 semaphore(%run_scoped3A : memref<!tpu.dma_semaphore, #tpu.memory_space<semaphore_mem>>) src(%arg6 : memref<640xf32, #tpu.memory_space<hbm>>) dst(%dma_wait3A : memref<640xf32, #tpu.memory_space<vmem_shared>>)
      tpu.yield
    }) : () -> ()
    "tpu.region"() ({
      %run_scoped3A = tpu.sem_alloc : memref<!tpu.dma_semaphore, #tpu.memory_space<semaphore_mem>>
      %dma_start3A = arith.constant 0 : i32
      %dma_start3A_9 = arith.constant 0 : i32
      %dma_start3A_10 = tpu.memref_slice %arg3[%add3A, %dma_start3A, %dma_start3A_9] : memref<32x79x128xi32, #tpu.memory_space<hbm>> -> memref<1x79x128xi32, #tpu.memory_space<hbm>>
      %dma_start3A_11 = tpu.memref_squeeze %dma_start3A_10 : memref<1x79x128xi32, #tpu.memory_space<hbm>> -> memref<79x128xi32, #tpu.memory_space<hbm>>
      %dma_start3A_12 = arith.constant 0 : i32
      %dma_start3A_13 = arith.constant 0 : i32
      %dma_start3A_14 = tpu.memref_slice %arg3[%add3A, %dma_start3A_12, %dma_start3A_13] : memref<32x79x128xi32, #tpu.memory_space<hbm>> -> memref<1x79x128xi32, #tpu.memory_space<hbm>>
      %dma_start3A_15 = tpu.memref_squeeze %dma_start3A_14 : memref<1x79x128xi32, #tpu.memory_space<hbm>> -> memref<79x128xi32, #tpu.memory_space<hbm>>
      tpu.enqueue_dma source(%dma_start3A_15 : memref<79x128xi32, #tpu.memory_space<hbm>>) target(%arg10 : memref<79x128xi32, #tpu.memory_space<vmem>>) target_semaphore(%run_scoped3A : memref<!tpu.dma_semaphore, #tpu.memory_space<semaphore_mem>>)
      %dma_wait3A = arith.constant 0 : i32
      %dma_wait3A_16 = arith.constant 0 : i32
      %dma_wait3A_17 = tpu.memref_slice %arg3[%add3A, %dma_wait3A, %dma_wait3A_16] : memref<32x79x128xi32, #tpu.memory_space<hbm>> -> memref<1x79x128xi32, #tpu.memory_space<hbm>>
      %dma_wait3A_18 = tpu.memref_squeeze %dma_wait3A_17 : memref<1x79x128xi32, #tpu.memory_space<hbm>> -> memref<79x128xi32, #tpu.memory_space<hbm>>
      %dma_wait3A_19 = arith.constant 0 : i32
      %dma_wait3A_20 = arith.constant 0 : i32
      %dma_wait3A_21 = tpu.memref_slice %arg3[%add3A, %dma_wait3A_19, %dma_wait3A_20] : memref<32x79x128xi32, #tpu.memory_space<hbm>> -> memref<1x79x128xi32, #tpu.memory_space<hbm>>
      %dma_wait3A_22 = tpu.memref_squeeze %dma_wait3A_21 : memref<1x79x128xi32, #tpu.memory_space<hbm>> -> memref<79x128xi32, #tpu.memory_space<hbm>>
      tpu.wait_dma2 semaphore(%run_scoped3A : memref<!tpu.dma_semaphore, #tpu.memory_space<semaphore_mem>>) src(%dma_wait3A_22 : memref<79x128xi32, #tpu.memory_space<hbm>>) dst(%arg10 : memref<79x128xi32, #tpu.memory_space<vmem>>)
      tpu.yield
    }) : () -> ()
    "tpu.region"() ({
      %run_scoped3A = tpu.sem_alloc : memref<!tpu.dma_semaphore, #tpu.memory_space<semaphore_mem>>
      %dma_start3A = arith.constant 0 : i32
      %dma_start3A_9 = arith.constant 0 : i32
      %dma_start3A_10 = tpu.memref_slice %arg4[%add3A, %dma_start3A, %dma_start3A_9] : memref<32x79x128xi32, #tpu.memory_space<hbm>> -> memref<1x79x128xi32, #tpu.memory_space<hbm>>
      %dma_start3A_11 = tpu.memref_squeeze %dma_start3A_10 : memref<1x79x128xi32, #tpu.memory_space<hbm>> -> memref<79x128xi32, #tpu.memory_space<hbm>>
      %dma_start3A_12 = arith.constant 0 : i32
      %dma_start3A_13 = arith.constant 0 : i32
      %dma_start3A_14 = tpu.memref_slice %arg4[%add3A, %dma_start3A_12, %dma_start3A_13] : memref<32x79x128xi32, #tpu.memory_space<hbm>> -> memref<1x79x128xi32, #tpu.memory_space<hbm>>
      %dma_start3A_15 = tpu.memref_squeeze %dma_start3A_14 : memref<1x79x128xi32, #tpu.memory_space<hbm>> -> memref<79x128xi32, #tpu.memory_space<hbm>>
      tpu.enqueue_dma source(%dma_start3A_15 : memref<79x128xi32, #tpu.memory_space<hbm>>) target(%arg11 : memref<79x128xi32, #tpu.memory_space<vmem>>) target_semaphore(%run_scoped3A : memref<!tpu.dma_semaphore, #tpu.memory_space<semaphore_mem>>)
      %dma_wait3A = arith.constant 0 : i32
      %dma_wait3A_16 = arith.constant 0 : i32
      %dma_wait3A_17 = tpu.memref_slice %arg4[%add3A, %dma_wait3A, %dma_wait3A_16] : memref<32x79x128xi32, #tpu.memory_space<hbm>> -> memref<1x79x128xi32, #tpu.memory_space<hbm>>
      %dma_wait3A_18 = tpu.memref_squeeze %dma_wait3A_17 : memref<1x79x128xi32, #tpu.memory_space<hbm>> -> memref<79x128xi32, #tpu.memory_space<hbm>>
      %dma_wait3A_19 = arith.constant 0 : i32
      %dma_wait3A_20 = arith.constant 0 : i32
      %dma_wait3A_21 = tpu.memref_slice %arg4[%add3A, %dma_wait3A_19, %dma_wait3A_20] : memref<32x79x128xi32, #tpu.memory_space<hbm>> -> memref<1x79x128xi32, #tpu.memory_space<hbm>>
      %dma_wait3A_22 = tpu.memref_squeeze %dma_wait3A_21 : memref<1x79x128xi32, #tpu.memory_space<hbm>> -> memref<79x128xi32, #tpu.memory_space<hbm>>
      tpu.wait_dma2 semaphore(%run_scoped3A : memref<!tpu.dma_semaphore, #tpu.memory_space<semaphore_mem>>) src(%dma_wait3A_22 : memref<79x128xi32, #tpu.memory_space<hbm>>) dst(%arg11 : memref<79x128xi32, #tpu.memory_space<vmem>>)
      tpu.yield
    }) : () -> ()
    "tpu.region"() ({
      %run_scoped3A = tpu.sem_alloc : memref<!tpu.dma_semaphore, #tpu.memory_space<semaphore_mem>>
      tpu.enqueue_dma source(%arg7 : memref<128xf32, #tpu.memory_space<hbm>>) target(%arg13 : memref<128xf32, #tpu.memory_space<vmem>>) target_semaphore(%run_scoped3A : memref<!tpu.dma_semaphore, #tpu.memory_space<semaphore_mem>>)
      tpu.wait_dma2 semaphore(%run_scoped3A : memref<!tpu.dma_semaphore, #tpu.memory_space<semaphore_mem>>) src(%arg7 : memref<128xf32, #tpu.memory_space<hbm>>) dst(%arg13 : memref<128xf32, #tpu.memory_space<vmem>>)
      tpu.yield
    }) : () -> ()
    %barrier3A = arith.constant 0 : index
    tpu.barrier barrier_id(%barrier3A)
    %scan3A = arith.constant 0 : i32
    %scan3A_3 = arith.constant 0 : i32
    %scan3A_4 = arith.constant 79 : i32
    %scan3A_5 = arith.addi %scan3A_3, %scan3A_4 : i32
    %scan3A_6 = arith.constant 1 : i32
    scf.for %scan3A_9 = %scan3A_3 to %scan3A_5 step %scan3A_6  : i32 {
      %dma_start3A = arith.constant 0 : i32
      %dma_start3A_10 = tpu.memref_slice %arg10[%scan3A_9, %dma_start3A] : memref<79x128xi32, #tpu.memory_space<vmem>> -> memref<1x128xi32, #tpu.memory_space<vmem>>
      %dma_start3A_11 = tpu.memref_squeeze %dma_start3A_10 : memref<1x128xi32, #tpu.memory_space<vmem>> -> memref<128xi32, #tpu.memory_space<vmem>>
      %dma_start3A_12 = arith.constant 0 : i32
      %dma_start3A_13 = arith.constant 0 : i32
      %dma_start3A_14 = tpu.memref_slice %arg2[%dma_start3A_12, %dma_start3A_13] : memref<10000x128xf32, #tpu.memory_space<hbm>> -> memref<10000x128xf32, #tpu.memory_space<hbm>>
      tpu.enqueue_indirect_dma source(%dma_start3A_14 : memref<10000x128xf32, #tpu.memory_space<hbm>>) target(%arg12 : memref<128x128xf32, #tpu.memory_space<vmem>>) offsets(%dma_start3A_11 : memref<128xi32, #tpu.memory_space<vmem>>) semaphore(%arg16 : memref<!tpu.dma_semaphore, #tpu.memory_space<semaphore_mem>>)
      %dma_wait3A = arith.constant 0 : i32
      %dma_wait3A_15 = tpu.memref_slice %arg10[%scan3A_9, %dma_wait3A] : memref<79x128xi32, #tpu.memory_space<vmem>> -> memref<1x128xi32, #tpu.memory_space<vmem>>
      %dma_wait3A_16 = tpu.memref_squeeze %dma_wait3A_15 : memref<1x128xi32, #tpu.memory_space<vmem>> -> memref<128xi32, #tpu.memory_space<vmem>>
      %dma_wait3A_17 = arith.constant 0 : i32
      %dma_wait3A_18 = arith.constant 0 : i32
      %dma_wait3A_19 = tpu.memref_slice %arg2[%dma_wait3A_17, %dma_wait3A_18] : memref<10000x128xf32, #tpu.memory_space<hbm>> -> memref<10000x128xf32, #tpu.memory_space<hbm>>
      tpu.wait_indirect_dma semaphore(%arg16 : memref<!tpu.dma_semaphore, #tpu.memory_space<semaphore_mem>>) src(%dma_wait3A_19 : memref<10000x128xf32, #tpu.memory_space<hbm>>) dst(%arg12 : memref<128x128xf32, #tpu.memory_space<vmem>>)
      "tpu.region"() ({
        %run_scoped3A = tpu.sem_alloc : memref<!tpu.dma_semaphore, #tpu.memory_space<semaphore_mem>>
        %dma_start3A_20 = arith.constant 0 : i32
        %dma_start3A_21 = tpu.memref_slice %arg11[%scan3A_9, %dma_start3A_20] : memref<79x128xi32, #tpu.memory_space<vmem>> -> memref<1x128xi32, #tpu.memory_space<vmem>>
        %dma_start3A_22 = tpu.memref_squeeze %dma_start3A_21 : memref<1x128xi32, #tpu.memory_space<vmem>> -> memref<128xi32, #tpu.memory_space<vmem>>
        %dma_start3A_23 = arith.constant 0 : i32
        %dma_start3A_24 = arith.constant 0 : i32
        %dma_start3A_25 = tpu.memref_slice %arg14[%dma_start3A_23, %dma_start3A_24] : memref<10240x128xf32, #tpu.memory_space<vmem_shared>> -> memref<10240x128xf32, #tpu.memory_space<vmem_shared>>
        tpu.enqueue_indirect_dma source(%arg12 : memref<128x128xf32, #tpu.memory_space<vmem>>) target(%dma_start3A_25 : memref<10240x128xf32, #tpu.memory_space<vmem_shared>>) offsets(%dma_start3A_22 : memref<128xi32, #tpu.memory_space<vmem>>) semaphore(%run_scoped3A : memref<!tpu.dma_semaphore, #tpu.memory_space<semaphore_mem>>) {add = true}
        %dma_wait3A_26 = arith.constant 0 : i32
        %dma_wait3A_27 = tpu.memref_slice %arg11[%scan3A_9, %dma_wait3A_26] : memref<79x128xi32, #tpu.memory_space<vmem>> -> memref<1x128xi32, #tpu.memory_space<vmem>>
        %dma_wait3A_28 = tpu.memref_squeeze %dma_wait3A_27 : memref<1x128xi32, #tpu.memory_space<vmem>> -> memref<128xi32, #tpu.memory_space<vmem>>
        %dma_wait3A_29 = arith.constant 0 : i32
        %dma_wait3A_30 = arith.constant 0 : i32
        %dma_wait3A_31 = tpu.memref_slice %arg14[%dma_wait3A_29, %dma_wait3A_30] : memref<10240x128xf32, #tpu.memory_space<vmem_shared>> -> memref<10240x128xf32, #tpu.memory_space<vmem_shared>>
        tpu.wait_indirect_dma semaphore(%run_scoped3A : memref<!tpu.dma_semaphore, #tpu.memory_space<semaphore_mem>>) src(%arg12 : memref<128x128xf32, #tpu.memory_space<vmem>>) dst(%dma_wait3A_31 : memref<10240x128xf32, #tpu.memory_space<vmem_shared>>)
        tpu.yield
      }) : () -> ()
      "tpu.region"() ({
        %run_scoped3A = tpu.sem_alloc : memref<!tpu.dma_semaphore, #tpu.memory_space<semaphore_mem>>
        %dma_start3A_20 = arith.constant 0 : i32
        %dma_start3A_21 = tpu.memref_slice %arg11[%scan3A_9, %dma_start3A_20] : memref<79x128xi32, #tpu.memory_space<vmem>> -> memref<1x128xi32, #tpu.memory_space<vmem>>
        %dma_start3A_22 = tpu.memref_squeeze %dma_start3A_21 : memref<1x128xi32, #tpu.memory_space<vmem>> -> memref<128xi32, #tpu.memory_space<vmem>>
        %dma_start3A_23 = arith.constant 0 : i32
        %dma_start3A_24 = tpu.memref_slice %arg15[%dma_start3A_23] : memref<10240xf32, #tpu.memory_space<vmem_shared>> -> memref<10240xf32, #tpu.memory_space<vmem_shared>>
        tpu.enqueue_indirect_dma source(%arg13 : memref<128xf32, #tpu.memory_space<vmem>>) target(%dma_start3A_24 : memref<10240xf32, #tpu.memory_space<vmem_shared>>) offsets(%dma_start3A_22 : memref<128xi32, #tpu.memory_space<vmem>>) semaphore(%run_scoped3A : memref<!tpu.dma_semaphore, #tpu.memory_space<semaphore_mem>>) {add = true}
        %dma_wait3A_25 = arith.constant 0 : i32
        %dma_wait3A_26 = tpu.memref_slice %arg11[%scan3A_9, %dma_wait3A_25] : memref<79x128xi32, #tpu.memory_space<vmem>> -> memref<1x128xi32, #tpu.memory_space<vmem>>
        %dma_wait3A_27 = tpu.memref_squeeze %dma_wait3A_26 : memref<1x128xi32, #tpu.memory_space<vmem>> -> memref<128xi32, #tpu.memory_space<vmem>>
        %dma_wait3A_28 = arith.constant 0 : i32
        %dma_wait3A_29 = tpu.memref_slice %arg15[%dma_wait3A_28] : memref<10240xf32, #tpu.memory_space<vmem_shared>> -> memref<10240xf32, #tpu.memory_space<vmem_shared>>
        tpu.wait_indirect_dma semaphore(%run_scoped3A : memref<!tpu.dma_semaphore, #tpu.memory_space<semaphore_mem>>) src(%arg13 : memref<128xf32, #tpu.memory_space<vmem>>) dst(%dma_wait3A_29 : memref<10240xf32, #tpu.memory_space<vmem_shared>>)
        tpu.yield
      }) : () -> ()
    }
    %scan3A_7 = arith.constant 79 : i32
    %barrier3A_8 = arith.constant 0 : index
    tpu.barrier barrier_id(%barrier3A_8)
    "tpu.region"() ({
      %run_scoped3A = tpu.sem_alloc : memref<!tpu.dma_semaphore, #tpu.memory_space<semaphore_mem>>
      %dma_start3A = arith.constant 0 : i32
      %dma_start3A_9 = tpu.memref_slice %arg8[%arg0, %mul3A_2, %dma_start3A] : memref<2x10240x128xf32, #tpu.memory_space<hbm>> -> memref<1x640x128xf32, #tpu.memory_space<hbm>>
      %dma_start3A_10 = tpu.memref_squeeze %dma_start3A_9 : memref<1x640x128xf32, #tpu.memory_space<hbm>> -> memref<640x128xf32, #tpu.memory_space<hbm>>
      %dma_start3A_11 = arith.constant 0 : i32
      %dma_start3A_12 = tpu.memref_slice %arg14[%mul3A_2, %dma_start3A_11] : memref<10240x128xf32, #tpu.memory_space<vmem_shared>> -> memref<640x128xf32, #tpu.memory_space<vmem_shared>>
      tpu.enqueue_dma source(%dma_start3A_12 : memref<640x128xf32, #tpu.memory_space<vmem_shared>>) target(%dma_start3A_10 : memref<640x128xf32, #tpu.memory_space<hbm>>) target_semaphore(%run_scoped3A : memref<!tpu.dma_semaphore, #tpu.memory_space<semaphore_mem>>)
      %dma_wait3A = arith.constant 0 : i32
      %dma_wait3A_13 = tpu.memref_slice %arg8[%arg0, %mul3A_2, %dma_wait3A] : memref<2x10240x128xf32, #tpu.memory_space<hbm>> -> memref<1x640x128xf32, #tpu.memory_space<hbm>>
      %dma_wait3A_14 = tpu.memref_squeeze %dma_wait3A_13 : memref<1x640x128xf32, #tpu.memory_space<hbm>> -> memref<640x128xf32, #tpu.memory_space<hbm>>
      %dma_wait3A_15 = arith.constant 0 : i32
      %dma_wait3A_16 = tpu.memref_slice %arg14[%mul3A_2, %dma_wait3A_15] : memref<10240x128xf32, #tpu.memory_space<vmem_shared>> -> memref<640x128xf32, #tpu.memory_space<vmem_shared>>
      tpu.wait_dma2 semaphore(%run_scoped3A : memref<!tpu.dma_semaphore, #tpu.memory_space<semaphore_mem>>) src(%dma_wait3A_16 : memref<640x128xf32, #tpu.memory_space<vmem_shared>>) dst(%dma_wait3A_14 : memref<640x128xf32, #tpu.memory_space<hbm>>)
      tpu.yield
    }) : () -> ()
    "tpu.region"() ({
      %run_scoped3A = tpu.sem_alloc : memref<!tpu.dma_semaphore, #tpu.memory_space<semaphore_mem>>
      %dma_start3A = tpu.memref_slice %arg9[%arg0, %mul3A_2] : memref<2x10240xf32, #tpu.memory_space<hbm>> -> memref<1x640xf32, #tpu.memory_space<hbm>>
      %dma_start3A_9 = tpu.memref_squeeze %dma_start3A : memref<1x640xf32, #tpu.memory_space<hbm>> -> memref<640xf32, #tpu.memory_space<hbm>>
      %dma_start3A_10 = tpu.memref_slice %arg15[%mul3A_2] : memref<10240xf32, #tpu.memory_space<vmem_shared>> -> memref<640xf32, #tpu.memory_space<vmem_shared>>
      tpu.enqueue_dma source(%dma_start3A_10 : memref<640xf32, #tpu.memory_space<vmem_shared>>) target(%dma_start3A_9 : memref<640xf32, #tpu.memory_space<hbm>>) target_semaphore(%run_scoped3A : memref<!tpu.dma_semaphore, #tpu.memory_space<semaphore_mem>>)
      %dma_wait3A = tpu.memref_slice %arg9[%arg0, %mul3A_2] : memref<2x10240xf32, #tpu.memory_space<hbm>> -> memref<1x640xf32, #tpu.memory_space<hbm>>
      %dma_wait3A_11 = tpu.memref_squeeze %dma_wait3A : memref<1x640xf32, #tpu.memory_space<hbm>> -> memref<640xf32, #tpu.memory_space<hbm>>
      %dma_wait3A_12 = tpu.memref_slice %arg15[%mul3A_2] : memref<10240xf32, #tpu.memory_space<vmem_shared>> -> memref<640xf32, #tpu.memory_space<vmem_shared>>
      tpu.wait_dma2 semaphore(%run_scoped3A : memref<!tpu.dma_semaphore, #tpu.memory_space<semaphore_mem>>) src(%dma_wait3A_12 : memref<640xf32, #tpu.memory_space<vmem_shared>>) dst(%dma_wait3A_11 : memref<640xf32, #tpu.memory_space<hbm>>)
      tpu.yield
    }) : () -> ()
    return
  }
}

module attributes {stable_mosaic.version = 14 : i64} {
  func.func @_tc_body(%arg0: memref<10000x128xf32, #tpu.memory_space<vmem>>, %arg1: memref<2x10240x128xf32, #tpu.memory_space<vmem>>, %arg2: memref<2x10240x1xf32, #tpu.memory_space<vmem>>, %arg3: memref<1x1xf32, #tpu.memory_space<vmem>>, %arg4: memref<128x128xf32, #tpu.memory_space<vmem>>, %arg5: memref<1x128xf32, #tpu.memory_space<vmem>>, %arg6: memref<1x128xf32, #tpu.memory_space<vmem>>, %arg7: memref<1x128xf32, #tpu.memory_space<vmem>>, %arg8: memref<128x128xf32, #tpu.memory_space<vmem>>, %arg9: memref<1x128xf32, #tpu.memory_space<vmem>>, %arg10: memref<1x128xf32, #tpu.memory_space<vmem>>, %arg11: memref<1x128xf32, #tpu.memory_space<vmem>>, %arg12: memref<128x64xf32, #tpu.memory_space<vmem>>, %arg13: memref<1x64xf32, #tpu.memory_space<vmem>>, %arg14: memref<128x64xf32, #tpu.memory_space<vmem>>, %arg15: memref<1x64xf32, #tpu.memory_space<vmem>>, %arg16: memref<1x64xf32, #tpu.memory_space<vmem>>) attributes {dimension_semantics = [], scalar_prefetch = 0 : i64, scratch_operands = 0 : i64, tpu.core_type = #tpu.core_type<tc>} {
    %get3A = arith.constant 0 : index
    %get3A_0 = arith.constant 0 : index
    %get3A_1 = vector.load %arg0[%get3A, %get3A_0] : memref<10000x128xf32, #tpu.memory_space<vmem>>, vector<10000x128xf32>
    %get3A_2 = arith.constant 0 : index
    %get3A_3 = arith.constant 0 : index
    %get3A_4 = arith.constant 0 : index
    %get3A_5 = vector.load %arg1[%get3A_2, %get3A_3, %get3A_4] : memref<2x10240x128xf32, #tpu.memory_space<vmem>>, vector<1x10000x128xf32>
    %get3A_6 = vector.shape_cast %get3A_5 : vector<1x10000x128xf32> to vector<10000x128xf32>
    %get3A_7 = arith.constant 1 : index
    %get3A_8 = arith.constant 0 : index
    %get3A_9 = arith.constant 0 : index
    %get3A_10 = vector.load %arg1[%get3A_7, %get3A_8, %get3A_9] : memref<2x10240x128xf32, #tpu.memory_space<vmem>>, vector<1x10000x128xf32>
    %get3A_11 = vector.shape_cast %get3A_10 : vector<1x10000x128xf32> to vector<10000x128xf32>
    %add3A = arith.addf %get3A_6, %get3A_11 : vector<10000x128xf32>
    %get3A_12 = arith.constant 0 : index
    %get3A_13 = arith.constant 0 : index
    %get3A_14 = arith.constant 0 : index
    %get3A_15 = vector.load %arg2[%get3A_12, %get3A_13, %get3A_14] : memref<2x10240x1xf32, #tpu.memory_space<vmem>>, vector<1x10000x1xf32>
    %get3A_16 = vector.shape_cast %get3A_15 : vector<1x10000x1xf32> to vector<10000x1xf32>
    %get3A_17 = arith.constant 1 : index
    %get3A_18 = arith.constant 0 : index
    %get3A_19 = arith.constant 0 : index
    %get3A_20 = vector.load %arg2[%get3A_17, %get3A_18, %get3A_19] : memref<2x10240x1xf32, #tpu.memory_space<vmem>>, vector<1x10000x1xf32>
    %get3A_21 = vector.shape_cast %get3A_20 : vector<1x10000x1xf32> to vector<10000x1xf32>
    %add3A_22 = arith.addf %get3A_16, %get3A_21 : vector<10000x1xf32>
    %max3A = arith.constant 1.000000e+00 : f32
    %max3A_23 = vector.broadcast %max3A : f32 to vector<10000x1xf32>
    %max3A_24 = arith.maximumf %add3A_22, %max3A_23 : vector<10000x1xf32>
    %div3A = vector.broadcast %max3A_24 : vector<10000x1xf32> to vector<10000x128xf32>
    %div3A_25 = arith.divf %add3A, %div3A : vector<10000x128xf32>
    %get3A_26 = arith.constant 0 : index
    %get3A_27 = arith.constant 0 : index
    %get3A_28 = vector.load %arg3[%get3A_26, %get3A_27] : memref<1x1xf32, #tpu.memory_space<vmem>>, vector<1x1xf32>
    %get3A_29 = vector.extract %get3A_28[0, 0] : f32 from vector<1x1xf32>
    %add3A_30 = arith.constant 1.000000e+00 : f32
    %add3A_31 = arith.addf %add3A_30, %get3A_29 : f32
    %mul3A = vector.broadcast %add3A_31 : f32 to vector<10000x128xf32>
    %mul3A_32 = arith.mulf %mul3A, %get3A_1 : vector<10000x128xf32>
    %add3A_33 = arith.addf %mul3A_32, %div3A_25 : vector<10000x128xf32>
    %get3A_34 = arith.constant 0 : index
    %get3A_35 = arith.constant 0 : index
    %get3A_36 = vector.load %arg4[%get3A_34, %get3A_35] : memref<128x128xf32, #tpu.memory_space<vmem>>, vector<128x128xf32>
    %dot_general3A = arith.constant dense<0.000000e+00> : vector<10000x128xf32>
    %dot_general3A_37 = tpu.matmul %add3A_33, %get3A_36, %dot_general3A {dimension_numbers = #tpu.dot_dimension_numbers<[1], [0], [0], [1], [0, 0, 1, 1], [], []>, transpose_lhs_hint = false} : vector<10000x128xf32>, vector<128x128xf32>, vector<10000x128xf32> -> vector<10000x128xf32>
    %get3A_38 = arith.constant 0 : index
    %get3A_39 = arith.constant 0 : index
    %get3A_40 = vector.load %arg5[%get3A_38, %get3A_39] : memref<1x128xf32, #tpu.memory_space<vmem>>, vector<1x128xf32>
    %add3A_41 = vector.broadcast %get3A_40 : vector<1x128xf32> to vector<10000x128xf32>
    %add3A_42 = arith.addf %dot_general3A_37, %add3A_41 : vector<10000x128xf32>
    %reduce_sum3A = arith.constant dense<0.000000e+00> : vector<128xf32>
    %reduce_sum3A_43 = vector.multi_reduction <add>, %add3A_42, %reduce_sum3A [0] : vector<10000x128xf32> to vector<128xf32>
    %broadcast_in_dim3A = vector.shape_cast %reduce_sum3A_43 : vector<128xf32> to vector<1x128xf32>
    %div3A_44 = arith.constant 1.000000e+04 : f32
    %div3A_45 = vector.broadcast %div3A_44 : f32 to vector<1x128xf32>
    %div3A_46 = arith.divf %broadcast_in_dim3A, %div3A_45 : vector<1x128xf32>
    %sub3A = vector.broadcast %div3A_46 : vector<1x128xf32> to vector<10000x128xf32>
    %sub3A_47 = arith.subf %add3A_42, %sub3A : vector<10000x128xf32>
    %integer_pow3A = arith.mulf %sub3A_47, %sub3A_47 : vector<10000x128xf32>
    %reduce_sum3A_48 = arith.constant dense<0.000000e+00> : vector<128xf32>
    %reduce_sum3A_49 = vector.multi_reduction <add>, %integer_pow3A, %reduce_sum3A_48 [0] : vector<10000x128xf32> to vector<128xf32>
    %broadcast_in_dim3A_50 = vector.shape_cast %reduce_sum3A_49 : vector<128xf32> to vector<1x128xf32>
    %div3A_51 = arith.constant 1.000000e+04 : f32
    %div3A_52 = vector.broadcast %div3A_51 : f32 to vector<1x128xf32>
    %div3A_53 = arith.divf %broadcast_in_dim3A_50, %div3A_52 : vector<1x128xf32>
    %sub3A_54 = vector.broadcast %div3A_46 : vector<1x128xf32> to vector<10000x128xf32>
    %sub3A_55 = arith.subf %add3A_42, %sub3A_54 : vector<10000x128xf32>
    %add3A_56 = arith.constant 9.99999974E-6 : f32
    %add3A_57 = vector.broadcast %add3A_56 : f32 to vector<1x128xf32>
    %add3A_58 = arith.addf %div3A_53, %add3A_57 : vector<1x128xf32>
    %sqrt3A = math.sqrt %add3A_58 : vector<1x128xf32>
    %div3A_59 = vector.broadcast %sqrt3A : vector<1x128xf32> to vector<10000x128xf32>
    %div3A_60 = arith.divf %sub3A_55, %div3A_59 : vector<10000x128xf32>
    %get3A_61 = arith.constant 0 : index
    %get3A_62 = arith.constant 0 : index
    %get3A_63 = vector.load %arg6[%get3A_61, %get3A_62] : memref<1x128xf32, #tpu.memory_space<vmem>>, vector<1x128xf32>
    %mul3A_64 = vector.broadcast %get3A_63 : vector<1x128xf32> to vector<10000x128xf32>
    %mul3A_65 = arith.mulf %div3A_60, %mul3A_64 : vector<10000x128xf32>
    %get3A_66 = arith.constant 0 : index
    %get3A_67 = arith.constant 0 : index
    %get3A_68 = vector.load %arg7[%get3A_66, %get3A_67] : memref<1x128xf32, #tpu.memory_space<vmem>>, vector<1x128xf32>
    %add3A_69 = vector.broadcast %get3A_68 : vector<1x128xf32> to vector<10000x128xf32>
    %add3A_70 = arith.addf %mul3A_65, %add3A_69 : vector<10000x128xf32>
    %max3A_71 = arith.constant 0.000000e+00 : f32
    %max3A_72 = vector.broadcast %max3A_71 : f32 to vector<10000x128xf32>
    %max3A_73 = arith.maximumf %add3A_70, %max3A_72 : vector<10000x128xf32>
    %get3A_74 = arith.constant 0 : index
    %get3A_75 = arith.constant 0 : index
    %get3A_76 = vector.load %arg8[%get3A_74, %get3A_75] : memref<128x128xf32, #tpu.memory_space<vmem>>, vector<128x128xf32>
    %dot_general3A_77 = arith.constant dense<0.000000e+00> : vector<10000x128xf32>
    %dot_general3A_78 = tpu.matmul %max3A_73, %get3A_76, %dot_general3A_77 {dimension_numbers = #tpu.dot_dimension_numbers<[1], [0], [0], [1], [0, 0, 1, 1], [], []>, transpose_lhs_hint = false} : vector<10000x128xf32>, vector<128x128xf32>, vector<10000x128xf32> -> vector<10000x128xf32>
    %get3A_79 = arith.constant 0 : index
    %get3A_80 = arith.constant 0 : index
    %get3A_81 = vector.load %arg9[%get3A_79, %get3A_80] : memref<1x128xf32, #tpu.memory_space<vmem>>, vector<1x128xf32>
    %add3A_82 = vector.broadcast %get3A_81 : vector<1x128xf32> to vector<10000x128xf32>
    %add3A_83 = arith.addf %dot_general3A_78, %add3A_82 : vector<10000x128xf32>
    %reduce_sum3A_84 = arith.constant dense<0.000000e+00> : vector<128xf32>
    %reduce_sum3A_85 = vector.multi_reduction <add>, %add3A_83, %reduce_sum3A_84 [0] : vector<10000x128xf32> to vector<128xf32>
    %broadcast_in_dim3A_86 = vector.shape_cast %reduce_sum3A_85 : vector<128xf32> to vector<1x128xf32>
    %div3A_87 = arith.constant 1.000000e+04 : f32
    %div3A_88 = vector.broadcast %div3A_87 : f32 to vector<1x128xf32>
    %div3A_89 = arith.divf %broadcast_in_dim3A_86, %div3A_88 : vector<1x128xf32>
    %sub3A_90 = vector.broadcast %div3A_89 : vector<1x128xf32> to vector<10000x128xf32>
    %sub3A_91 = arith.subf %add3A_83, %sub3A_90 : vector<10000x128xf32>
    %integer_pow3A_92 = arith.mulf %sub3A_91, %sub3A_91 : vector<10000x128xf32>
    %reduce_sum3A_93 = arith.constant dense<0.000000e+00> : vector<128xf32>
    %reduce_sum3A_94 = vector.multi_reduction <add>, %integer_pow3A_92, %reduce_sum3A_93 [0] : vector<10000x128xf32> to vector<128xf32>
    %broadcast_in_dim3A_95 = vector.shape_cast %reduce_sum3A_94 : vector<128xf32> to vector<1x128xf32>
    %div3A_96 = arith.constant 1.000000e+04 : f32
    %div3A_97 = vector.broadcast %div3A_96 : f32 to vector<1x128xf32>
    %div3A_98 = arith.divf %broadcast_in_dim3A_95, %div3A_97 : vector<1x128xf32>
    %sub3A_99 = vector.broadcast %div3A_89 : vector<1x128xf32> to vector<10000x128xf32>
    %sub3A_100 = arith.subf %add3A_83, %sub3A_99 : vector<10000x128xf32>
    %add3A_101 = arith.constant 9.99999974E-6 : f32
    %add3A_102 = vector.broadcast %add3A_101 : f32 to vector<1x128xf32>
    %add3A_103 = arith.addf %div3A_98, %add3A_102 : vector<1x128xf32>
    %sqrt3A_104 = math.sqrt %add3A_103 : vector<1x128xf32>
    %div3A_105 = vector.broadcast %sqrt3A_104 : vector<1x128xf32> to vector<10000x128xf32>
    %div3A_106 = arith.divf %sub3A_100, %div3A_105 : vector<10000x128xf32>
    %get3A_107 = arith.constant 0 : index
    %get3A_108 = arith.constant 0 : index
    %get3A_109 = vector.load %arg10[%get3A_107, %get3A_108] : memref<1x128xf32, #tpu.memory_space<vmem>>, vector<1x128xf32>
    %mul3A_110 = vector.broadcast %get3A_109 : vector<1x128xf32> to vector<10000x128xf32>
    %mul3A_111 = arith.mulf %div3A_106, %mul3A_110 : vector<10000x128xf32>
    %get3A_112 = arith.constant 0 : index
    %get3A_113 = arith.constant 0 : index
    %get3A_114 = vector.load %arg11[%get3A_112, %get3A_113] : memref<1x128xf32, #tpu.memory_space<vmem>>, vector<1x128xf32>
    %add3A_115 = vector.broadcast %get3A_114 : vector<1x128xf32> to vector<10000x128xf32>
    %add3A_116 = arith.addf %mul3A_111, %add3A_115 : vector<10000x128xf32>
    %max3A_117 = arith.constant 0.000000e+00 : f32
    %max3A_118 = vector.broadcast %max3A_117 : f32 to vector<10000x128xf32>
    %max3A_119 = arith.maximumf %add3A_116, %max3A_118 : vector<10000x128xf32>
    %reduce_sum3A_120 = arith.constant dense<0.000000e+00> : vector<128xf32>
    %reduce_sum3A_121 = vector.multi_reduction <add>, %max3A_119, %reduce_sum3A_120 [0] : vector<10000x128xf32> to vector<128xf32>
    %broadcast_in_dim3A_122 = vector.shape_cast %reduce_sum3A_121 : vector<128xf32> to vector<1x128xf32>
    %reduce_sum3A_123 = arith.constant dense<0.000000e+00> : vector<128xf32>
    %reduce_sum3A_124 = vector.multi_reduction <add>, %get3A_1, %reduce_sum3A_123 [0] : vector<10000x128xf32> to vector<128xf32>
    %broadcast_in_dim3A_125 = vector.shape_cast %reduce_sum3A_124 : vector<128xf32> to vector<1x128xf32>
    %get3A_126 = arith.constant 0 : index
    %get3A_127 = arith.constant 0 : index
    %get3A_128 = vector.load %arg12[%get3A_126, %get3A_127] : memref<128x64xf32, #tpu.memory_space<vmem>>, vector<128x64xf32>
    %dot_general3A_129 = arith.constant dense<0.000000e+00> : vector<1x64xf32>
    %dot_general3A_130 = tpu.matmul %broadcast_in_dim3A_125, %get3A_128, %dot_general3A_129 {dimension_numbers = #tpu.dot_dimension_numbers<[1], [0], [0], [1], [0, 0, 1, 1], [], []>, transpose_lhs_hint = false} : vector<1x128xf32>, vector<128x64xf32>, vector<1x64xf32> -> vector<1x64xf32>
    %get3A_131 = arith.constant 0 : index
    %get3A_132 = arith.constant 0 : index
    %get3A_133 = vector.load %arg13[%get3A_131, %get3A_132] : memref<1x64xf32, #tpu.memory_space<vmem>>, vector<1x64xf32>
    %add3A_134 = arith.addf %dot_general3A_130, %get3A_133 : vector<1x64xf32>
    %get3A_135 = arith.constant 0 : index
    %get3A_136 = arith.constant 0 : index
    %get3A_137 = vector.load %arg14[%get3A_135, %get3A_136] : memref<128x64xf32, #tpu.memory_space<vmem>>, vector<128x64xf32>
    %dot_general3A_138 = arith.constant dense<0.000000e+00> : vector<1x64xf32>
    %dot_general3A_139 = tpu.matmul %broadcast_in_dim3A_122, %get3A_137, %dot_general3A_138 {dimension_numbers = #tpu.dot_dimension_numbers<[1], [0], [0], [1], [0, 0, 1, 1], [], []>, transpose_lhs_hint = false} : vector<1x128xf32>, vector<128x64xf32>, vector<1x64xf32> -> vector<1x64xf32>
    %get3A_140 = arith.constant 0 : index
    %get3A_141 = arith.constant 0 : index
    %get3A_142 = vector.load %arg15[%get3A_140, %get3A_141] : memref<1x64xf32, #tpu.memory_space<vmem>>, vector<1x64xf32>
    %add3A_143 = arith.addf %dot_general3A_139, %get3A_142 : vector<1x64xf32>
    %add3A_144 = arith.addf %add3A_134, %add3A_143 : vector<1x64xf32>
    %swap3A = arith.constant 0 : index
    %swap3A_145 = arith.constant 0 : index
    %swap3A_146 = vector.load %arg16[%swap3A, %swap3A_145] : memref<1x64xf32, #tpu.memory_space<vmem>>, vector<1x64xf32>
    tpu.vector_store %arg16[%swap3A, %swap3A_145], %add3A_144 {strides = array<i32>} : memref<1x64xf32, #tpu.memory_space<vmem>>, vector<1x64xf32>,
    return
  }
}

</mosaic_0001>

<sc_bundles>
// kernel: kernel.4.cloned.1.call-start
scs
__scs_entry_jumppad:
0x0: {  	(pc) =	sbr.rel $0x88, $3  }
0x1: {  	(tag) =	ssettag $0x0;
	lr =	simm.s32 $0x1  }
0x2: {  	[smem:$0x3F92] =	sst lr;
	_ =	strace $0xD0000000  }
0x3: {  	_ = 	snop  }
0x4: {  	_ = 	snop  }
0x5: {  	_ = 	snop  }
0x6: {  	_ = 	snop  }
0x7: {  	_ = 	snop  }
__scs_overlays_trampoline_lowered:
0x8: {  	[smem:$0x3FA1] =	sst s0  }
0x9: {  	[smem:$0x3FA2] =	sst s1  }
0xa: {  	[smem:$0x3FA3] =	sst s2  }
0xb: {  	[smem:$0x3FA4] =	sst s3  }
0xc: {  	[smem:$0x3FA5] =	sst s4  }
0xd: {  	[smem:$0x3FA6] =	sst s5  }
0xe: {  	[smem:$0x3FA7] =	sst s6  }
0xf: {  	[smem:$0x3FA8] =	sst s7  }
0x10: {  	[smem:$0x3FA9] =	sst s8  }
0x11: {  	[smem:$0x3FAA] =	sst s9;
	s0 =	simm.s32 @!p0 $0x0  }
0x12: {  	s1 =	sld [smem:$0x3F90];
	s0 =	simm.s32 @p0 $0x1  }
0x13: {  	[smem:$0x3FAB] =	sst s0;
	s0 =	simm.s32 @!p1 $0x0  }
0x14: {  	s2 =	sld [smem:$0x3F8F];
	s0 =	simm.s32 @p1 $0x1  }
0x15: {  	[smem:$0x3FAC] =	sst s0;
	s0 =	simm.s32 @!p2 $0x0  }
0x16: {  	s3 =	sld [smem:$0x3FDB];
	s0 =	simm.s32 @p2 $0x1  }
0x17: {  	s4 =	simm.s32 $0x1BF5;
	[smem:$0x3FAE] =	sst s0  }
0x18: {  	s0 =	sld [smem:$0x3F91];
	_ =	swait.ge [sflag:s4], $0x0  }
0x19: {  	s7 =	sld [smem:$0x3F92]  }
0x1a: {  	s8 =	sadd.s32 $0xFFFFE003, lr  }
0x1b: {  	s9 =	sadd.s32 $0xFFFFFEF7, lr;
	s5 =	simm.s32 $0xFFFFFFFF;
	p2 =	slt.u32 s8, $0xFFFFF086  }
0x1c: {  	p1 =	slt.u32 s9, $0xF7A;
	s5 =	simm.s32 @!p2 $0x0  }
0x1d: {  	s5 =	simm.s32 @p1 $0x1;
	p0 =	seq.s32 s7, s2  }
0x1e: {  	s7 =	smul.u32 @!p0 $0xF7A, s2;
	p2 =	seq.s32 @!p0 s5, $0x0  }
0x1f: {  	s9 =	smul.u32 $0xF7A, s1;
	s8 =	simm.s32 @!p0 $0x1BF5;
	p2 =	por !p2, p0  }
0x20: {  	[sflag:s8] =	ssyncset.s32 @!p0 $0xFFFFF086;
	s6 =	sadd.s32 @!p0 s3, s7;
	s7 =	simm.s32 @!p0 $0x108  }
0x21: {  	s3 =	sadd.s32 s3, s9;
	s6 =	sadd.s32 @!p0 $0x88, s6;
	s7 =	simm.s32 @p2 $0x1082  }
0x22: {  	[simem:s7], [sflag:s8] =	dma.local @!p0 [hbm:s6], $0xF7A  }
0x23: {  	s9 =	sor.u32 $0xD0000000, s2;
	s6 =	simm.s32 $0x108;
	_ =	swait.ge @!p0 [sflag:s8], $0x0  }
0x24: {  	s3 =	sadd.s32 $0x88, s3;
	s6 =	simm.s32 @!p1 $0x1082;
	[sflag:s4] =	ssyncset.s32 $0xFFFFF086  }
0x25: {  	[simem:s6], [sflag:s4] =	dma.local [hbm:s3], $0xF7A  }
0x26: {  	[smem:$0x3F92] =	sst s1;
	(tag) =	ssettag s2;
	_ =	strace s9  }
0x27: {  	s1 =	sld [smem:$0x3FA2]  }
0x28: {  	s2 =	sld [smem:$0x3FA3]  }
0x29: {  	s4 =	sld [smem:$0x3FA5]  }
0x2a: {  	p0 =	seq.s32 s5, $0x0;
	s5 =	sld [smem:$0x3FA6]  }
0x2b: {  	s6 =	sld [smem:$0x3FA7]  }
0x2c: {  	s7 =	sld [smem:$0x3FA8]  }
0x2d: {  	s3 =	simm.s32 $0x108;
	s8 =	sld [smem:$0x3FA9]  }
0x2e: {  	s3 =	simm.s32 @!p0 $0x1082;
	s9 =	sld [smem:$0x3FAA]  }
0x2f: {  	lr =	sadd.s32 s0, s3;
	s0 =	sld [smem:$0x3FA1]  }
0x30: {  	s3 =	sld [smem:$0x3FA4]  }
0x31: {  	[smem:$0x3FAD] =	sst s10  }
0x32: {  	s10 =	sld [smem:$0x3FAB];
	_ =	sdelay $0x3  }
0x33: {  	p0 =	seq.s32 s10, $0x1;
	s10 =	sld [smem:$0x3FAD];
	_ =	sdelay $0x3  }
0x34: {  	[smem:$0x3FAD] =	sst s10  }
0x35: {  	s10 =	sld [smem:$0x3FAC];
	_ =	sdelay $0x3  }
0x36: {  	p1 =	seq.s32 s10, $0x1;
	s10 =	sld [smem:$0x3FAD];
	_ =	sdelay $0x3  }
0x37: {  	[smem:$0x3FAD] =	sst s10  }
0x38: {  	s10 =	sld [smem:$0x3FAE]  }
0x39: {  	_ = 	snop;
	(pc) =	sbr.ind lr, $3  }
0x3a: {  	_ = 	snop  }
0x3b: {  	_ = 	snop  }
0x3c: {  	p2 =	seq.s32 s10, $0x1;
	s10 =	sld [smem:$0x3FAD]  }
0x3d: {  	_ =	shalt  }
0x3e: {  	_ =	shalt  }
0x3f: {  	_ =	shalt  }
0x40: {  	_ =	shalt  }
0x41: {  	_ =	shalt  }
0x42: {  	_ =	shalt  }
0x43: {  	_ =	shalt  }
0x44: {  	_ =	shalt  }
0x45: {  	_ =	shalt  }
0x46: {  	_ =	shalt  }
0x47: {  	_ =	shalt  }
0x48: {  	_ =	shalt  }
0x49: {  	_ =	shalt  }
0x4a: {  	_ =	shalt  }
0x4b: {  	_ =	shalt  }
0x4c: {  	_ =	shalt  }
0x4d: {  	_ =	shalt  }
0x4e: {  	_ =	shalt  }
0x4f: {  	_ =	shalt  }
0x50: {  	_ =	shalt  }
0x51: {  	_ =	shalt  }
0x52: {  	_ =	shalt  }
0x53: {  	_ =	shalt  }
0x54: {  	_ =	shalt  }
0x55: {  	_ =	shalt  }
0x56: {  	_ =	shalt  }
0x57: {  	_ =	shalt  }
0x58: {  	_ =	shalt  }
0x59: {  	_ =	shalt  }
0x5a: {  	_ =	shalt  }
0x5b: {  	_ =	shalt  }
0x5c: {  	_ =	shalt  }
0x5d: {  	_ =	shalt  }
0x5e: {  	_ =	shalt  }
0x5f: {  	_ =	shalt  }
0x60: {  	_ =	shalt  }
0x61: {  	_ =	shalt  }
0x62: {  	_ =	shalt  }
0x63: {  	_ =	shalt  }
0x64: {  	_ =	shalt  }
0x65: {  	_ =	shalt  }
0x66: {  	_ =	shalt  }
0x67: {  	_ =	shalt  }
0x68: {  	_ =	shalt  }
0x69: {  	_ =	shalt  }
0x6a: {  	_ =	shalt  }
0x6b: {  	_ =	shalt  }
0x6c: {  	_ =	shalt  }
0x6d: {  	_ =	shalt  }
0x6e: {  	_ =	shalt  }
0x6f: {  	_ =	shalt  }
0x70: {  	_ =	shalt  }
0x71: {  	_ =	shalt  }
0x72: {  	_ =	shalt  }
0x73: {  	_ =	shalt  }
0x74: {  	_ =	shalt  }
0x75: {  	_ =	shalt  }
0x76: {  	_ =	shalt  }
0x77: {  	_ =	shalt  }
0x78: {  	_ =	shalt  }
0x79: {  	_ =	shalt  }
0x7a: {  	_ =	shalt  }
0x7b: {  	_ =	shalt  }
0x7c: {  	_ =	shalt  }
0x7d: {  	_ =	shalt  }
0x7e: {  	_ =	shalt  }
0x7f: {  	_ =	shalt  }
0x80: {  	_ =	shalt  }
0x81: {  	_ =	shalt  }
0x82: {  	_ =	shalt  }
0x83: {  	_ =	shalt  }
0x84: {  	_ =	shalt  }
0x85: {  	_ =	shalt  }
0x86: {  	_ =	shalt  }
0x87: {  	_ =	shalt  }
.Lfunc_end0:
.L_simem_size_0:
called_computation_lowered:
.L_overlay_start_0:
0x88: {  	s2 =	sld [smem:$0x3FD9]  }
0x89: {  	s3 =	sld [smem:$0x3FFE];
	_ =	sdelay $0x1  }
0x8a: {  	s1 =	srdreg.scid  }
0x8b: {  	s0 =	sand.u32 $0x1, s1  }
0x8c: {  	s17 =	sshll.u32 s0, $0xA;
	s2 =	sadd.s32 s3, s2  }
0x8d: {  	s2 =	sadd.s32 s2, s17  }
0x8e: {  	[smem:$0x3FB9] =	sst s2  }
0x8f: {  	_ = 	snop  }
0x90: {  	s2 =	sld [smem:$0x3FC9]  }
0x91: {  	s18 =	sld [smem:$0x3FD0];
	(tm) =	ssettm $0x1  }
0x92: {  	s4 =	sld [smem:$0x3FFB];
	_ =	sdelay $0x3  }
0x93: {  	_ =	strace s4  }
0x94: {  	s4 =	sld [smem:$0x3FFC];
	_ =	sdelay $0x3  }
0x95: {  	_ =	strace s4  }
0x96: {  	s4 =	sld [smem:$0x3FFD];
	_ =	sdelay $0x3  }
0x97: {  	_ =	strace s4  }
0x98: {  	_ =	strace $0x8FFFFFFF  }
0x99: {  	s19 =	sld [smem:$0x3FDB];
	_ =	sdelay $0x1  }
0x9a: {  	s5 =	simm.s32 $_scs_section_size  }
0x9b: {  	s6 =	simm.s32 $_size__tile_overlayer_lowered;
	s7 =	simm.s32 $_tile_overlayer_lowered  }
0x9c: {  	s22 =	simm.s32 $0x1BFF;
	s21 =	sshll.u32 s7, $0x1;
	s4 =	sadd.s32 s5, s19  }
0x9d: {  	s8 =	simm.s32 $0x0;
	s20 =	sshll.u32 s6, $0x1;
	s6 =	sadd.s32 s21, s4  }
0x9e: {  	[timem:s8], [sflag:s22] =	dma.local [hbm:s6], s20  }
0x9f: {  	_ =	swait.ge [sflag:s22], s20  }
0xa0: {  	s5 =	ssub.s32 $0x0, s20;
	[sflag:s22] =	ssyncset.done $0x0  }
0xa1: {  	[sflag:s22] =	ssyncadd.s32 s5;
	_ =	sdelay $0x1  }
0xa2: {  	s23 =	simm.s32 $0x1B8B  }
0xa3: {  	_ =	swait.ge [sflag:s23], $0x1  }
0xa4: {  	[sflag:s23] =	ssyncset.done $0x0  }
0xa5: {  	s25 =	simm.s32 $0x1B8E;
	s24 =	sld [smem:$0x3FFE];
	[sflag:s23] =	ssyncadd.s32 $0xFFFFFFFF  }
0xa6: {  	s26 =	simm.s32 $execute0_lowered;
	[smem:$0x3FD2] =	sst s25  }
0xa7: {  	s6 =	sshll.u32 s26, $0x1;
	_ =	strace $0x80000046;
	[dreg:$0x1] =	wrdreg $0xFFFFFFFF  }
0xa8: {  	s28 =	simm.s32 $_size_execute0_lowered;
	s4 =	sadd.s32 s4, s6;
	[dreg:$0x0] =	wrdreg $0x0  }
0xa9: {  	s6 =	sshll.u32 s28, $0x1;
	[dreg:$0x2] =	wrdreg s4  }
0xaa: {  	[dreg:$0x3] =	wrdreg s6  }
0xab: {  	[dreg:$0x4] =	wrdreg $0xC0  }
0xac: {  	_ =	task [dreg:s8], $0x5FFFF  }
0xad: {  	[dreg:$0x1] =	wrdreg $0xFFFFFFFF  }
0xae: {  	[dreg:$0x0] =	wrdreg $0x60  }
0xaf: {  	[dreg:$0x2] =	wrdreg s2  }
0xb0: {  	[dreg:$0x3] =	wrdreg s24  }
0xb1: {  	[dreg:$0x4] =	wrdreg s18  }
0xb2: {  	[dreg:$0x5] =	wrdreg $0x90800  }
0xb3: {  	[dreg:$0x6] =	wrdreg $0x1D0800  }
0xb4: {  	[dreg:$0x7] =	wrdreg $0x9  }
0xb5: {  	_ =	task.clear_ibuf [dreg:s8], $0x8FFFF;
	_ =	strace $0x90000046  }
0xb6: {  	s29 =	simm.s32 $0x9;
	_ =	strace $0x80000048  }
0xb7: {  	_ =	swait.ge [sflag:s29], $0x1  }
0xb8: {  	[sflag:s29] =	ssyncadd.s32 $0xFFFFFFFF  }
0xb9: {  	_ =	strace $0x90000048  }
0xba: {  	_ =	sfence  }
0xbb: {  	s30 =	sld [smem:$0x0];
	_ =	sdelay $0x2  }
0xbc: {  	s31 =	sshll.u32 s1, $0xD;
	s1 =	sshrl.u32 s1, $0x2  }
0xbd: {  	s3 =	sand.u32 $0x4000, s31;
	s1 =	sadd.s32 s1, s30  }
0xbe: {  	s0 =	sor.u32 s3, s0;
	s1 =	sshll.u32 s1, $0x11  }
0xbf: {  	s0 =	sor.u32 s1, s0  }
0xc0: {  	s0 =	sadd.s32 $0x8F2B, s0  }
0xc1: {  	[sflag:s0] =	ssyncadd.remote.s32 $0x1  }
0xc2: {  	_ =	sfence.sel $0xFFFF  }
0xc3: {  	[dreg:$0x0] =	wrdreg $0xFFFFFFFF;
	(pc) =	sbr.abs _section_cstart, $3  }
0xc4: {  	[dreg:$0x1] =	wrdreg $0xFFFFFFFF  }
0xc5: {  	_ =	task.clear_ibuf [dreg:s8], $0x2FFFF;
	_ =	strace $0x9FFFFFFF  }
0xc6: {  	(tm) =	ssettm $0x7FFFFFFF  }
0xc7: {  	_ =	shalt  }
tec
execute0_lowered:
.L_overlay_start_1:
0x0: {  	(tag) =	ssettag $0x1  }
0x1: {  	s1 =	rddreg [dreg:$0x0]  }
0x2: {  	s10 =	rddreg [dreg:$0x1]  }
0x3: {  	s3 =	rddreg [dreg:$0x2]  }
0x4: {  	s4 =	rddreg [dreg:$0x3]  }
0x5: {  	s0 =	srdreg.scid;
	s5 =	rddreg [dreg:$0x4];
	s6 =	simm.s32 $0x0  }
0x6: {  	s20 =	simm.s32 $0x80;
	s21 =	simm.s32 $0x5000;
	s9 =	sand.u32 $0x1, s0  }
0x7: {  	s22 =	simm.s32 $0x1;
	s0 =	stileid.u32;
	s8 =	smul.u32 $0x140000, s9  }
0x8: {  	s23 =	simm.s32 $0x20;
	s24 =	simm.s32 $0x10;
	s11 =	smul.u32 $0x14000, s0  }
0x9: {  	s25 =	simm.s32 $0x0;
	[smem:$0x7FF] =	sst s6;
	s13 =	smul.u32 $0x500, s0  }
0xa: {  	s2 =	sshll.u32 s9, $0x4;
	s26 =	sshll.u32 s9, $0x7;
	s28 =	smul.u32 $0x50000, s0  }
0xb: {  	s9 =	ssub.s32 $0x2, s9;
	s16 =	smul.u32 $0xA00, s0;
	s2 =	sor.u32 s0, s2  }
0xc: {  	s30 =	sshll.u32 s0, $0x6;
	s15 =	sshrl.u32 s9, $0x1;
	s7 =	smul.u32 $0x500, s2  }
0xd: {  	s2 =	rddreg [dreg:$0x5];
	_ =	strace $0x80000047;
	s8 =	sadd.s32 s11, s8  }
0xe: {  	s15 =	ssub.s32 s9, s15;
	s29 =	sshrl.u32 s28, $0x2;
	s31 =	sshrl.u32 s16, $0x2  }
0xf: {  	s9 =	sor.u32 $0x1C02, s30;
	s16 =	simm.s32 $0x2;
	s11 =	sshrl.u32 s8, $0x3  }
0x10: {  	s8 =	sadd.s32 $0x18C00, s10;
	s14 =	sadd.s32 s11, s10;
	s11 =	sor.u32 s26, s13  }
0x11: {  	s18 =	sadd.s32 s29, s4;
	s19 =	sadd.s32 s31, s5;
	s11 =	sshrl.u32 s11, $0x3  }
0x12: {  	s12 =	sadd.s32 s7, s10;
	s7 =	sadd.s32 $0x16400, s10;
	s17 =	sadd.s32 s11, s10  }
0x13: {  	s10 =	sadd.s32 $0x2400, s12;
	s11 =	sadd.s32 $0xC400, s12;
	s12 =	sadd.s32 $0x19800, s14  }
0x14: {  	s14 =	smax.u32 s15, $0x1;
	s15 =	sshrl.u32 s18, $0x3;
	s18 =	simm.s32 $0x2800  }
0x15: {  	s13 =	sadd.s32 $0x18E00, s17;
	s17 =	sshrl.u32 s19, $0x3;
	s19 =	simm.s32 $0x9000  }
.LBB2_1:
0x16: {  	[spmem:s15], [sflag:s9] =	dma.local [hbm:s7], $0x2800  }
0x17: {  	_ =	swait.ge [sflag:s16], $0x2800  }
0x18: {  	[sflag:s16] =	ssyncset.done $0x0  }
0x19: {  	[sflag:s16] =	ssyncadd.s32 $0xFFFFD800  }
0x1a: {  	[spmem:s17], [sflag:s9] =	dma.local [hbm:s8], $0x50  }
0x1b: {  	_ =	swait.ge [sflag:s16], $0x50  }
0x1c: {  	[sflag:s16] =	ssyncset.done $0x0  }
0x1d: {  	[sflag:s16] =	ssyncadd.s32 $0xFFFFFFB0  }
0x1e: {  	[tilespmem:s6], [sflag:$0x2] =	stream.linear.gather [hbm4b:s10+s6], $0x2780, $0x38;
	[tilespmem:$0x1D300] =	vst v63  }
0x1f: {  	_ =	swait.ge [sflag:s16], $0x2780  }
0x20: {  	[sflag:s16] =	ssyncset.done $0x0  }
0x21: {  	[sflag:s16] =	ssyncadd.s32 $0xFFFFD880  }
0x22: {  	[tilespmem:s18], [sflag:$0x2] =	stream.linear.gather [hbm4b:s11+s6], $0x2780, $0x38;
	[tilespmem:$0x1D300] =	vst v63  }
0x23: {  	_ =	swait.ge [sflag:s16], $0x2780  }
0x24: {  	[sflag:s16] =	ssyncset.done $0x0  }
0x25: {  	[sflag:s16] =	ssyncadd.s32 $0xFFFFD880  }
0x26: {  	[tilespmem:s19], [sflag:$0x2] =	stream.linear.gather [hbm4b:s3+s6], $0x80, $0x38;
	[tilespmem:$0x1D300] =	vst v63  }
0x27: {  	_ =	swait.ge [sflag:s16], $0x80  }
0x28: {  	[sflag:s16] =	ssyncset.done $0x0  }
0x29: {  	[sflag:s16] =	ssyncadd.s32 $0xFFFFFF80  }
0x2a: {  	s26 =	simm.s32 $0x0;
	[bflag:$0x0] =	sbarrier.arrive $0xFFFF  }
0x2b: {  	[tilespmem:s21], [sflag:$0x1] =	stream.indirect.gather [hbm4b:s1+s20], $0x80, s26, s20, $0xb8;
	[tilespmem:$0x1D300] =	vst v63  }
0x2c: {  	_ =	swait.ge [sflag:s22], $0x4000  }
0x2d: {  	[sflag:s22] =	ssyncset.done $0x0  }
0x2e: {  	s31 =	simm.s32 $0x2800;
	[sflag:s22] =	ssyncadd.s32 $0xFFFFC000  }
0x2f: {  	[spmem:s4] =	stream.indirect.scatter.add.f32 [tilespmem:s21], [sflag:$0x2], $0x80, s31, s20, $0xb8;
	[tilespmem:$0x1D300] =	vst v63  }
0x30: {  	_ =	swait.ge [sflag:s16], $0x4000  }
0x31: {  	[sflag:s16] =	ssyncset.done $0x0  }
0x32: {  	[sflag:s16] =	ssyncadd.s32 $0xFFFFC000  }
0x33: {  	[spmem:s5] =	stream.indirect.scatter.add.f32 [tilespmem:s19], [sflag:$0x2], $0x1, s31, s20, $0xb8;
	[tilespmem:$0x1D300] =	vst v63  }
0x34: {  	_ =	swait.ge [sflag:s16], $0x80  }
0x35: {  	s28 =	simm.s32 $0x400;
	s26 =	simm.s32 $0x200;
	[sflag:s16] =	ssyncset.done $0x0  }
.LBB2_2:
0x36: {  	s29 =	sshra.s32 s26, $0x2  }
0x37: {  	[sflag:s16] =	ssyncadd.s32 $0xFFFFFF80;
	s26 =	smov.u32 s28;
	s30 =	sadd.s32 $0x200, s28  }
0x38: {  	[tilespmem:s21], [sflag:$0x1] =	stream.indirect.gather [hbm4b:s1+s20], $0x80, s29, s20, $0xb8;
	[tilespmem:$0x1D300] =	vst v63  }
0x39: {  	p0 =	sne.s32 s28, $0x9C00;
	_ =	swait.ge [sflag:s22], $0x4000  }
0x3a: {  	[sflag:s22] =	ssyncset.done $0x0  }
0x3b: {  	s28 =	sadd.s32 $0x2800, s29;
	[sflag:s22] =	ssyncadd.s32 $0xFFFFC000  }
0x3c: {  	[spmem:s4] =	stream.indirect.scatter.add.f32 [tilespmem:s21], [sflag:$0x2], $0x80, s28, s20, $0xb8;
	[tilespmem:$0x1D300] =	vst v63  }
0x3d: {  	_ =	swait.ge [sflag:s16], $0x4000  }
.Ltmp0:
0x3e: {  	[sflag:s16] =	ssyncset.done $0x0;
	(pc) =	sbr.rel @p0 .LBB2_2-.Ltmp0, $4  }
0x3f: {  	[sflag:s16] =	ssyncadd.s32 $0xFFFFC000  }
0x40: {  	[spmem:s5] =	stream.indirect.scatter.add.f32 [tilespmem:s19], [sflag:$0x2], $0x1, s28, s20, $0xb8;
	[tilespmem:$0x1D300] =	vst v63  }
0x41: {  	_ =	swait.ge [sflag:s16], $0x80  }
0x42: {  	s28 =	smov.u32 s30;
	[sflag:s16] =	ssyncset.done $0x0  }
0x43: {  	s26 =	sshra.s32 s26, $0x2;
	[sflag:s16] =	ssyncadd.s32 $0xFFFFFF80  }
0x44: {  	[tilespmem:s21], [sflag:$0x1] =	stream.indirect.gather [hbm4b:s1+s20], $0x80, s26, s20, $0xb8;
	[tilespmem:$0x1D300] =	vst v63  }
0x45: {  	_ =	swait.ge [sflag:s22], $0x4000  }
0x46: {  	[sflag:s22] =	ssyncset.done $0x0  }
0x47: {  	s26 =	sadd.s32 $0x2800, s26;
	[sflag:s22] =	ssyncadd.s32 $0xFFFFC000  }
0x48: {  	[spmem:s4] =	stream.indirect.scatter.add.f32 [tilespmem:s21], [sflag:$0x2], $0x80, s26, s20, $0xb8;
	[tilespmem:$0x1D300] =	vst v63  }
0x49: {  	_ =	swait.ge [sflag:s16], $0x4000  }
0x4a: {  	[sflag:s16] =	ssyncset.done $0x0  }
0x4b: {  	[sflag:s16] =	ssyncadd.s32 $0xFFFFC000  }
0x4c: {  	[spmem:s5] =	stream.indirect.scatter.add.f32 [tilespmem:s19], [sflag:$0x2], $0x1, s26, s20, $0xb8;
	[tilespmem:$0x1D300] =	vst v63  }
0x4d: {  	_ =	swait.ge [sflag:s16], $0x80  }
0x4e: {  	[sflag:s16] =	ssyncset.done $0x0  }
0x4f: {  	[sflag:s16] =	ssyncadd.s32 $0xFFFFFF80  }
0x50: {  	[bflag:$0x0] =	sbarrier.arrive $0xFFFF  }
0x51: {  	[hbm:s12], [sflag:s9] =	dma.local [spmem:s15], $0x2800  }
0x52: {  	s25 =	sadd.s32 $0x1, s25;
	_ =	swait.ge [sflag:s16], $0x2800  }
0x53: {  	p0 =	sne.s32 s25, s14;
	[sflag:s16] =	ssyncset.done $0x0  }
.Ltmp1:
0x54: {  	[sflag:s16] =	ssyncadd.s32 $0xFFFFD800;
	(pc) =	sbr.rel @p0 .LBB2_1-.Ltmp1, $4  }
0x55: {  	[hbm:s13@s23], [sflag:s9] =	dma.strided [spmem:s17@s24], $0x50, s22, $0x10   }
0x56: {  	_ =	swait.ge [sflag:s16], $0x50  }
0x57: {  	[sflag:s16] =	ssyncset.done $0x0  }
0x58: {  	[sflag:s16] =	ssyncadd.s32 $0xFFFFFFB0  }
0x59: {  	_ =	sfence.sel $0x180000  }
0x5a: {  	[bflag:$0x0] =	sbarrier.arrive $0xFFFF  }
0x5b: {  	p0 =	sne.s32 s0, $0x0;
	_ =	strace $0x90000047  }
0x5c: {  	s0 =	sadd.s32 @!p0 $0x100000, s2;
	[bflag:$0x2] =	sbarrier.arrive $0xFFFF  }
0x5d: {  	[sflag:s0] =	ssyncadd.tile.s32 @!p0 $0x1;
	_ =	shalt  }
.Lfunc_end2:
_tile_overlayer_lowered:
.L_overlay_start_2:
0x5e: {  	(tag) =	ssettag $0x2  }
0x5f: {  	s0 =	rddreg [dreg:$0x0];
	s2 =	stileid.u32  }
0x60: {  	s1 =	rddreg [dreg:$0x1];
	p0 =	sne.s32 s2, $0x0  }
0x61: {  	s3 =	rddreg [dreg:$0x2];
	[bflag:$0x3] =	sbarrier.arrive $0xFFFF;
	s2 =	simm.s32 @!p0 $0x1C02  }
0x62: {  	[timem:s3], [sflag:s2] =	dma.local @!p0 [hbm:s0], s1  }
0x63: {  	s0 =	simm.s32 @!p0 $0x2  }
0x64: {  	_ =	swait.ge @!p0 [sflag:s0], s1  }
0x65: {  	s1 =	ssub.s32 @!p0 $0x0, s1;
	[sflag:s0] =	ssyncset.done @!p0 $0x0  }
0x66: {  	[sflag:s0] =	ssyncadd.s32 @!p0 s1  }
0x67: {  	[bflag:$0x3] =	sbarrier.arrive $0xFFFF  }
0x68: {  	_ =	shalt  }

</sc_bundles>
